<compile_context>
chip_gen: v7x
topology: tpu7x:2x2x1
jax: 0.10.2.dev20260603
libtpu: 0.0.44.dev20260713+nightly
codegen_flags: <defaults>
</compile_context>

<pallas_src>
import jax
import jax.numpy as jnp
from jax import lax
from jax.experimental import pallas as pl
from jax.experimental.pallas import tpu as pltpu
from jax.experimental.pallas import tpu_sc as plsc

INPUT_DIM = 512
NUM_NEURONS = 512
BATCH = 1024
TIMESTEPS = 100

_NC = 2
_NS = 16
_NW = _NC * _NS
_ROWS = BATCH // _NW
_NSL = INPUT_DIM // 16
_PAIRS = _ROWS // 2


def _body(x_hbm, out_hbm, x_v, buf0, buf1, strow, sem0, sem1):
    wid = lax.axis_index("s") * _NC + lax.axis_index("c")
    base = wid * _ROWS
    xload = pltpu.make_async_copy(x_hbm.at[pl.ds(base, _ROWS)], x_v, sem0)
    xload.start()

    zero_f = jnp.zeros((16,), jnp.float32)
    one_f = jnp.ones((16,), jnp.float32)
    zero_i = jnp.zeros((16,), jnp.int32)
    lane = lax.iota(jnp.int32, 16)

    def _clear(buf, i, _):
        buf[i // _NSL, pl.ds((i % _NSL) * 16, 16)] = zero_f
        return 0

    def _zs(j, _):
        strow[0, pl.ds(j * 16, 16)] = zero_i
        strow[1, pl.ds(j * 16, 16)] = zero_i
        return 0

    lax.fori_loop(0, _NSL, _zs, 0)
    lax.fori_loop(0, TIMESTEPS * _NSL, lambda i, c: _clear(buf0, i, c), 0)
    xload.wait()

    def _fill(buf, p, r):
        def _slice(j, _):
            col = lane + j * 16
            old = strow[p, pl.ds(j * 16, 16)]
            plsc.store_scatter(buf, [old, col], zero_f)
            xs = x_v[r, pl.ds(j * 16, 16)]
            sig = 1.0 / (1.0 + jnp.exp(-xs))
            st = (sig * jnp.float32(TIMESTEPS - 1)).astype(jnp.int32)
            plsc.store_scatter(buf, [st, col], one_f)
            strow[p, pl.ds(j * 16, 16)] = st
            return 0

        lax.fori_loop(0, _NSL, _slice, 0)

    def _dma(buf, r, sem):
        return pltpu.make_async_copy(buf, out_hbm.at[:, base + r, :], sem)

    _fill(buf0, 0, 0)
    _dma(buf0, 0, sem0).start()
    lax.fori_loop(0, TIMESTEPS * _NSL, lambda i, c: _clear(buf1, i, c), 0)
    _fill(buf1, 1, 1)
    _dma(buf1, 1, sem1).start()

    def _pair(i, _):
        r = 2 * i
        _dma(buf0, r - 2, sem0).wait()
        _fill(buf0, 0, r)
        _dma(buf0, r, sem0).start()
        _dma(buf1, r - 1, sem1).wait()
        _fill(buf1, 1, r + 1)
        _dma(buf1, r + 1, sem1).start()
        return 0

    lax.fori_loop(1, _PAIRS, _pair, 0)
    _dma(buf0, _ROWS - 2, sem0).wait()
    _dma(buf1, _ROWS - 1, sem1).wait()


def kernel(continuous_input, timesteps):
    del timesteps
    mesh = plsc.VectorSubcoreMesh(core_axis_name="c", subcore_axis_name="s")
    run = pl.kernel(
        _body,
        out_type=jax.ShapeDtypeStruct((TIMESTEPS, BATCH, NUM_NEURONS), jnp.float32),
        mesh=mesh,
        scratch_types=[
            pltpu.VMEM((_ROWS, INPUT_DIM), jnp.float32),
            pltpu.VMEM((TIMESTEPS, NUM_NEURONS), jnp.float32),
            pltpu.VMEM((TIMESTEPS, NUM_NEURONS), jnp.float32),
            pltpu.VMEM((2, INPUT_DIM), jnp.int32),
            pltpu.SemaphoreType.DMA,
            pltpu.SemaphoreType.DMA,
        ],
        compiler_params=pltpu.CompilerParams(
            use_tc_tiling_on_sc=False, needs_layout_passes=False
        ),
    )
    return run(continuous_input)

# --- scband reference (transcript-rebuilt; emitter-appended) ---
"""Pipeline reference for scband-temporal-encoder-17145509446146 (READ-ONLY COPY).

The authoritative reference and input builder live on the scoring server;
editing this copy changes nothing except your own understanding.
"""

import jax, jax.numpy as jnp
import numpy as np

INPUT_DIM = 512
NUM_NEURONS = 512
BATCH = 1024
TIMESTEPS = 100


def setup_inputs(seed: int = 0) -> dict:
    key = jax.random.key(seed)
    continuous_input = jax.random.normal(key, (BATCH, INPUT_DIM), dtype=jnp.float32)
    return {"continuous_input": continuous_input, "timesteps": 100}


def reference(continuous_input, timesteps):
    # Faithful JAX port of TemporalEncoder._temporal_encoding (encoding_type='temporal').
    batch_size, input_dim = continuous_input.shape
    normalized_input = jax.nn.sigmoid(continuous_input)
    # spike_times = (normalized * (T-1)).long()
    spike_times = (normalized_input * (timesteps - 1)).astype(jnp.int32)  # [B, D]
    # neuron_idx = i % num_neurons ; batch index b
    b_idx = jnp.broadcast_to(jnp.arange(batch_size, dtype=jnp.int32)[:, None], (batch_size, input_dim))
    n_idx = jnp.broadcast_to((jnp.arange(input_dim, dtype=jnp.int32) % NUM_NEURONS)[None, :], (batch_size, input_dim))
    spikes = jnp.zeros((TIMESTEPS, batch_size, NUM_NEURONS), dtype=jnp.float32)
    # scatter-overwrite: spikes[time_idx, b, neuron_idx] = 1.0 (all writes are 1.0, so
    # collision order does not matter)
    spikes = spikes.at[spike_times, b_idx, n_idx].set(1.0)
    return spikes

if __name__ == "__main__":
    import jax
    _d = setup_inputs()
    print(jax.jit(kernel)(*tuple(_d.values())))

</pallas_src>

<mosaic_0001>
#map = affine_map<(d0, d1) -> (0, 0)>
#map1 = affine_map<(d0, d1) -> (0, 0, 0)>
module attributes {stable_mosaic.version = 14 : i64} {
  func.func @_body(%arg0: i32, %arg1: i32, %arg2: memref<1024x512xf32, #tpu.memory_space<hbm>>, %arg3: memref<100x1024x512xf32, #tpu.memory_space<hbm>>, %arg4: memref<32x512xf32, #tpu.memory_space<vmem>>, %arg5: memref<100x512xf32, #tpu.memory_space<vmem>>, %arg6: memref<100x512xf32, #tpu.memory_space<vmem>>, %arg7: memref<2x512xi32, #tpu.memory_space<vmem>>, %arg8: memref<!tpu.dma_semaphore, #tpu.memory_space<semaphore_mem>>, %arg9: memref<!tpu.dma_semaphore, #tpu.memory_space<semaphore_mem>>) attributes {dimension_semantics = [#tpu.dimension_semantics<core_parallel>, #tpu.dimension_semantics<subcore_parallel>], iteration_bounds = array<i64: 2, 16>, scalar_prefetch = 0 : i64, scratch_operands = 6 : i64, tpu.core_type = #tpu.core_type<sc_vector_subcore>, window_params = [{transform_indices = #map}, {transform_indices = #map1}]} {
    %mul3A = arith.constant 2 : i32
    %mul3A_0 = arith.muli %arg1, %mul3A : i32
    %add3A = arith.addi %mul3A_0, %arg0 : i32
    %mul3A_1 = arith.constant 32 : i32
    %mul3A_2 = arith.muli %add3A, %mul3A_1 : i32
    %dma_start3A = arith.constant 0 : i32
    %dma_start3A_3 = tpu.memref_slice %arg2[%mul3A_2, %dma_start3A] : memref<1024x512xf32, #tpu.memory_space<hbm>> -> memref<32x512xf32, #tpu.memory_space<hbm>>
    %dma_start3A_4 = arith.constant 0 : i32
    %dma_start3A_5 = tpu.memref_slice %arg2[%mul3A_2, %dma_start3A_4] : memref<1024x512xf32, #tpu.memory_space<hbm>> -> memref<32x512xf32, #tpu.memory_space<hbm>>
    tpu.enqueue_dma source(%dma_start3A_5 : memref<32x512xf32, #tpu.memory_space<hbm>>) target(%arg4 : memref<32x512xf32, #tpu.memory_space<vmem>>) target_semaphore(%arg8 : memref<!tpu.dma_semaphore, #tpu.memory_space<semaphore_mem>>)
    %broadcast_in_dim3A = arith.constant 0.000000e+00 : f32
    %broadcast_in_dim3A_6 = vector.broadcast %broadcast_in_dim3A : f32 to vector<16xf32>
    %broadcast_in_dim3A_7 = arith.constant 1.000000e+00 : f32
    %broadcast_in_dim3A_8 = vector.broadcast %broadcast_in_dim3A_7 : f32 to vector<16xf32>
    %broadcast_in_dim3A_9 = arith.constant 0 : i32
    %broadcast_in_dim3A_10 = vector.broadcast %broadcast_in_dim3A_9 : i32 to vector<16xi32>
    %iota3A = tpu.iota {dimensions = array<i32: 0>} : vector<16xi32>
    %scan3A = arith.constant 0 : i32
    %scan3A_11 = arith.constant 0 : i32
    %scan3A_12 = arith.constant 32 : i32
    %scan3A_13 = arith.addi %scan3A_11, %scan3A_12 : i32
    %scan3A_14 = arith.constant 1 : i32
    %scan3A_15 = scf.for %scan3A_95 = %scan3A_11 to %scan3A_13 step %scan3A_14 iter_args(%scan3A_96 = %scan3A) -> (i32)  : i32 {
      %mul3A_97 = arith.constant 16 : i32
      %mul3A_98 = arith.muli %scan3A_95, %mul3A_97 : i32
      %swap3A = arith.constant 0 : i32
      %swap3A_99 = arith.index_cast %swap3A : i32 to index
      %swap3A_100 = arith.index_cast %mul3A_98 : i32 to index
      %swap3A_101 = tpu.vector_load %arg7[%swap3A_99, %swap3A_100] {strides = array<i32>} : memref<2x512xi32, #tpu.memory_space<vmem>>, vector<16xi32>,
      tpu.vector_store %arg7[%swap3A_99, %swap3A_100], %broadcast_in_dim3A_10 {strides = array<i32>} : memref<2x512xi32, #tpu.memory_space<vmem>>, vector<16xi32>,
      %mul3A_102 = arith.constant 16 : i32
      %mul3A_103 = arith.muli %scan3A_95, %mul3A_102 : i32
      %swap3A_104 = arith.constant 1 : i32
      %swap3A_105 = arith.index_cast %swap3A_104 : i32 to index
      %swap3A_106 = arith.index_cast %mul3A_103 : i32 to index
      %swap3A_107 = tpu.vector_load %arg7[%swap3A_105, %swap3A_106] {strides = array<i32>} : memref<2x512xi32, #tpu.memory_space<vmem>>, vector<16xi32>,
      tpu.vector_store %arg7[%swap3A_105, %swap3A_106], %broadcast_in_dim3A_10 {strides = array<i32>} : memref<2x512xi32, #tpu.memory_space<vmem>>, vector<16xi32>,
      %scan3A_108 = arith.constant 0 : i32
      scf.yield %scan3A_108 : i32
    }
    %scan3A_16 = arith.constant 32 : i32
    %scan3A_17 = arith.constant 0 : i32
    %scan3A_18 = arith.constant 0 : i32
    %scan3A_19 = arith.constant 3200 : i32
    %scan3A_20 = arith.addi %scan3A_18, %scan3A_19 : i32
    %scan3A_21 = arith.constant 1 : i32
    %scan3A_22 = scf.for %scan3A_95 = %scan3A_18 to %scan3A_20 step %scan3A_21 iter_args(%scan3A_96 = %scan3A_17) -> (i32)  : i32 {
      %jit3A = arith.constant 32 : i32
      %div3A = arith.divsi %scan3A_95, %jit3A : i32
      %sign3A = arith.constant 0 : i32
      %sign3A_97 = arith.cmpi sgt, %scan3A_95, %sign3A : i32
      %sign3A_98 = arith.extui %sign3A_97 : i1 to i32
      %sign3A_99 = arith.constant 0 : i32
      %sign3A_100 = arith.cmpi slt, %scan3A_95, %sign3A_99 : i32
      %sign3A_101 = arith.extui %sign3A_100 : i1 to i32
      %sign3A_102 = arith.subi %sign3A_98, %sign3A_101 : i32
      %sign3A_103 = arith.constant 0 : i32
      %sign3A_104 = arith.cmpi sgt, %jit3A, %sign3A_103 : i32
      %sign3A_105 = arith.extui %sign3A_104 : i1 to i32
      %sign3A_106 = arith.constant 0 : i32
      %sign3A_107 = arith.cmpi slt, %jit3A, %sign3A_106 : i32
      %sign3A_108 = arith.extui %sign3A_107 : i1 to i32
      %sign3A_109 = arith.subi %sign3A_105, %sign3A_108 : i32
      %ne3A = arith.cmpi ne, %sign3A_102, %sign3A_109 : i32
      %rem3A = arith.remsi %scan3A_95, %jit3A : i32
      %ne3A_110 = arith.constant 0 : i32
      %ne3A_111 = arith.cmpi ne, %rem3A, %ne3A_110 : i32
      %and3A = arith.andi %ne3A, %ne3A_111 : i1
      %sub3A = arith.constant 1 : i32
      %sub3A_112 = arith.subi %div3A, %sub3A : i32
      %select_n3A = arith.select %and3A, %sub3A_112, %div3A : i32
      %jit3A_113 = arith.constant 32 : i32
      %eq3A = arith.constant 0 : i32
      %eq3A_114 = arith.cmpi eq, %jit3A_113, %eq3A : i32
      %jit3A_115 = arith.constant 1 : i32
      %select_n3A_116 = arith.select %eq3A_114, %jit3A_115, %jit3A_113 : i32
      %rem3A_117 = arith.remsi %scan3A_95, %select_n3A_116 : i32
      %ne3A_118 = arith.constant 0 : i32
      %ne3A_119 = arith.cmpi ne, %rem3A_117, %ne3A_118 : i32
      %lt3A = arith.constant 0 : i32
      %lt3A_120 = arith.cmpi slt, %rem3A_117, %lt3A : i32
      %lt3A_121 = arith.constant 0 : i32
      %lt3A_122 = arith.cmpi slt, %select_n3A_116, %lt3A_121 : i32
      %ne3A_123 = arith.xori %lt3A_120, %lt3A_122 : i1
      %and3A_124 = arith.andi %ne3A_123, %ne3A_119 : i1
      %add3A_125 = arith.addi %rem3A_117, %select_n3A_116 : i32
      %select_n3A_126 = arith.select %and3A_124, %add3A_125, %rem3A_117 : i32
      %mul3A_127 = arith.constant 16 : i32
      %mul3A_128 = arith.muli %select_n3A_126, %mul3A_127 : i32
      %swap3A = arith.index_cast %select_n3A : i32 to index
      %swap3A_129 = arith.index_cast %mul3A_128 : i32 to index
      %swap3A_130 = tpu.vector_load %arg5[%swap3A, %swap3A_129] {strides = array<i32>} : memref<100x512xf32, #tpu.memory_space<vmem>>, vector<16xf32>,
      tpu.vector_store %arg5[%swap3A, %swap3A_129], %broadcast_in_dim3A_6 {strides = array<i32>} : memref<100x512xf32, #tpu.memory_space<vmem>>, vector<16xf32>,
      %scan3A_131 = arith.constant 0 : i32
      scf.yield %scan3A_131 : i32
    }
    %scan3A_23 = arith.constant 3200 : i32
    %dma_wait3A = arith.constant 0 : i32
    %dma_wait3A_24 = tpu.memref_slice %arg2[%mul3A_2, %dma_wait3A] : memref<1024x512xf32, #tpu.memory_space<hbm>> -> memref<32x512xf32, #tpu.memory_space<hbm>>
    %dma_wait3A_25 = arith.constant 0 : i32
    %dma_wait3A_26 = tpu.memref_slice %arg2[%mul3A_2, %dma_wait3A_25] : memref<1024x512xf32, #tpu.memory_space<hbm>> -> memref<32x512xf32, #tpu.memory_space<hbm>>
    tpu.wait_dma2 semaphore(%arg8 : memref<!tpu.dma_semaphore, #tpu.memory_space<semaphore_mem>>) src(%dma_wait3A_26 : memref<32x512xf32, #tpu.memory_space<hbm>>) dst(%arg4 : memref<32x512xf32, #tpu.memory_space<vmem>>)
    %scan3A_27 = arith.constant 0 : i32
    %scan3A_28 = arith.constant 0 : i32
    %scan3A_29 = arith.constant 32 : i32
    %scan3A_30 = arith.addi %scan3A_28, %scan3A_29 : i32
    %scan3A_31 = arith.constant 1 : i32
    %scan3A_32 = scf.for %scan3A_95 = %scan3A_28 to %scan3A_30 step %scan3A_31 iter_args(%scan3A_96 = %scan3A_27) -> (i32)  : i32 {
      %mul3A_97 = arith.constant 16 : i32
      %mul3A_98 = arith.muli %scan3A_95, %mul3A_97 : i32
      %add3A_99 = vector.broadcast %mul3A_98 : i32 to vector<16xi32>
      %add3A_100 = arith.addi %iota3A, %add3A_99 : vector<16xi32>
      %mul3A_101 = arith.constant 16 : i32
      %mul3A_102 = arith.muli %scan3A_95, %mul3A_101 : i32
      %get3A = arith.constant 0 : i32
      %get3A_103 = arith.index_cast %get3A : i32 to index
      %get3A_104 = arith.index_cast %mul3A_102 : i32 to index
      %get3A_105 = tpu.vector_load %arg7[%get3A_103, %get3A_104] {strides = array<i32>} : memref<2x512xi32, #tpu.memory_space<vmem>>, vector<16xi32>,
      tpu.vector_store_idx %arg5[%get3A_105, %add3A_100], %broadcast_in_dim3A_6 : memref<100x512xf32, #tpu.memory_space<vmem>>[vector<16xi32>, vector<16xi32>], vector<16xf32>,
      %mul3A_106 = arith.constant 16 : i32
      %mul3A_107 = arith.muli %scan3A_95, %mul3A_106 : i32
      %get3A_108 = arith.constant 0 : i32
      %get3A_109 = arith.index_cast %get3A_108 : i32 to index
      %get3A_110 = arith.index_cast %mul3A_107 : i32 to index
      %get3A_111 = tpu.vector_load %arg4[%get3A_109, %get3A_110] {strides = array<i32>} : memref<32x512xf32, #tpu.memory_space<vmem>>, vector<16xf32>,
      %neg3A = arith.constant 0.000000e+00 : f32
      %neg3A_112 = vector.broadcast %neg3A : f32 to vector<16xf32>
      %neg3A_113 = arith.subf %neg3A_112, %get3A_111 : vector<16xf32>
      %exp3A = math.exp %neg3A_113 : vector<16xf32>
      %add3A_114 = arith.constant 1.000000e+00 : f32
      %add3A_115 = vector.broadcast %add3A_114 : f32 to vector<16xf32>
      %add3A_116 = arith.addf %add3A_115, %exp3A : vector<16xf32>
      %div3A = arith.constant 1.000000e+00 : f32
      %div3A_117 = vector.broadcast %div3A : f32 to vector<16xf32>
      %div3A_118 = arith.divf %div3A_117, %add3A_116 : vector<16xf32>
      %mul3A_119 = arith.constant 9.900000e+01 : f32
      %mul3A_120 = vector.broadcast %mul3A_119 : f32 to vector<16xf32>
      %mul3A_121 = arith.mulf %div3A_118, %mul3A_120 : vector<16xf32>
      %convert_element_type3A = arith.fptosi %mul3A_121 : vector<16xf32> to vector<16xi32>
      tpu.vector_store_idx %arg5[%convert_element_type3A, %add3A_100], %broadcast_in_dim3A_8 : memref<100x512xf32, #tpu.memory_space<vmem>>[vector<16xi32>, vector<16xi32>], vector<16xf32>,
      %mul3A_122 = arith.constant 16 : i32
      %mul3A_123 = arith.muli %scan3A_95, %mul3A_122 : i32
      %swap3A = arith.constant 0 : i32
      %swap3A_124 = arith.index_cast %swap3A : i32 to index
      %swap3A_125 = arith.index_cast %mul3A_123 : i32 to index
      %swap3A_126 = tpu.vector_load %arg7[%swap3A_124, %swap3A_125] {strides = array<i32>} : memref<2x512xi32, #tpu.memory_space<vmem>>, vector<16xi32>,
      tpu.vector_store %arg7[%swap3A_124, %swap3A_125], %convert_element_type3A {strides = array<i32>} : memref<2x512xi32, #tpu.memory_space<vmem>>, vector<16xi32>,
      %scan3A_127 = arith.constant 0 : i32
      scf.yield %scan3A_127 : i32
    }
    %scan3A_33 = arith.constant 32 : i32
    %add3A_34 = arith.constant 0 : i32
    %add3A_35 = arith.addi %mul3A_2, %add3A_34 : i32
    %dma_start3A_36 = arith.constant 0 : i32
    %dma_start3A_37 = arith.constant 0 : i32
    %dma_start3A_38 = tpu.memref_slice %arg3[%dma_start3A_36, %add3A_35, %dma_start3A_37] : memref<100x1024x512xf32, #tpu.memory_space<hbm>> -> memref<100x1x512xf32, #tpu.memory_space<hbm>>
    %dma_start3A_39 = tpu.memref_squeeze %dma_start3A_38 : memref<100x1x512xf32, #tpu.memory_space<hbm>> -> memref<100x512xf32, #tpu.memory_space<hbm>>
    %dma_start3A_40 = arith.constant 0 : i32
    %dma_start3A_41 = arith.constant 0 : i32
    %dma_start3A_42 = tpu.memref_slice %arg3[%dma_start3A_40, %add3A_35, %dma_start3A_41] : memref<100x1024x512xf32, #tpu.memory_space<hbm>> -> memref<100x1x512xf32, #tpu.memory_space<hbm>>
    %dma_start3A_43 = tpu.memref_squeeze %dma_start3A_42 : memref<100x1x512xf32, #tpu.memory_space<hbm>> -> memref<100x512xf32, #tpu.memory_space<hbm>>
    tpu.enqueue_dma source(%arg5 : memref<100x512xf32, #tpu.memory_space<vmem>>) target(%dma_start3A_43 : memref<100x512xf32, #tpu.memory_space<hbm>>) target_semaphore(%arg8 : memref<!tpu.dma_semaphore, #tpu.memory_space<semaphore_mem>>)
    %scan3A_44 = arith.constant 0 : i32
    %scan3A_45 = arith.constant 0 : i32
    %scan3A_46 = arith.constant 3200 : i32
    %scan3A_47 = arith.addi %scan3A_45, %scan3A_46 : i32
    %scan3A_48 = arith.constant 1 : i32
    %scan3A_49 = scf.for %scan3A_95 = %scan3A_45 to %scan3A_47 step %scan3A_48 iter_args(%scan3A_96 = %scan3A_44) -> (i32)  : i32 {
      %jit3A = arith.constant 32 : i32
      %div3A = arith.divsi %scan3A_95, %jit3A : i32
      %sign3A = arith.constant 0 : i32
      %sign3A_97 = arith.cmpi sgt, %scan3A_95, %sign3A : i32
      %sign3A_98 = arith.extui %sign3A_97 : i1 to i32
      %sign3A_99 = arith.constant 0 : i32
      %sign3A_100 = arith.cmpi slt, %scan3A_95, %sign3A_99 : i32
      %sign3A_101 = arith.extui %sign3A_100 : i1 to i32
      %sign3A_102 = arith.subi %sign3A_98, %sign3A_101 : i32
      %sign3A_103 = arith.constant 0 : i32
      %sign3A_104 = arith.cmpi sgt, %jit3A, %sign3A_103 : i32
      %sign3A_105 = arith.extui %sign3A_104 : i1 to i32
      %sign3A_106 = arith.constant 0 : i32
      %sign3A_107 = arith.cmpi slt, %jit3A, %sign3A_106 : i32
      %sign3A_108 = arith.extui %sign3A_107 : i1 to i32
      %sign3A_109 = arith.subi %sign3A_105, %sign3A_108 : i32
      %ne3A = arith.cmpi ne, %sign3A_102, %sign3A_109 : i32
      %rem3A = arith.remsi %scan3A_95, %jit3A : i32
      %ne3A_110 = arith.constant 0 : i32
      %ne3A_111 = arith.cmpi ne, %rem3A, %ne3A_110 : i32
      %and3A = arith.andi %ne3A, %ne3A_111 : i1
      %sub3A = arith.constant 1 : i32
      %sub3A_112 = arith.subi %div3A, %sub3A : i32
      %select_n3A = arith.select %and3A, %sub3A_112, %div3A : i32
      %jit3A_113 = arith.constant 32 : i32
      %eq3A = arith.constant 0 : i32
      %eq3A_114 = arith.cmpi eq, %jit3A_113, %eq3A : i32
      %jit3A_115 = arith.constant 1 : i32
      %select_n3A_116 = arith.select %eq3A_114, %jit3A_115, %jit3A_113 : i32
      %rem3A_117 = arith.remsi %scan3A_95, %select_n3A_116 : i32
      %ne3A_118 = arith.constant 0 : i32
      %ne3A_119 = arith.cmpi ne, %rem3A_117, %ne3A_118 : i32
      %lt3A = arith.constant 0 : i32
      %lt3A_120 = arith.cmpi slt, %rem3A_117, %lt3A : i32
      %lt3A_121 = arith.constant 0 : i32
      %lt3A_122 = arith.cmpi slt, %select_n3A_116, %lt3A_121 : i32
      %ne3A_123 = arith.xori %lt3A_120, %lt3A_122 : i1
      %and3A_124 = arith.andi %ne3A_123, %ne3A_119 : i1
      %add3A_125 = arith.addi %rem3A_117, %select_n3A_116 : i32
      %select_n3A_126 = arith.select %and3A_124, %add3A_125, %rem3A_117 : i32
      %mul3A_127 = arith.constant 16 : i32
      %mul3A_128 = arith.muli %select_n3A_126, %mul3A_127 : i32
      %swap3A = arith.index_cast %select_n3A : i32 to index
      %swap3A_129 = arith.index_cast %mul3A_128 : i32 to index
      %swap3A_130 = tpu.vector_load %arg6[%swap3A, %swap3A_129] {strides = array<i32>} : memref<100x512xf32, #tpu.memory_space<vmem>>, vector<16xf32>,
      tpu.vector_store %arg6[%swap3A, %swap3A_129], %broadcast_in_dim3A_6 {strides = array<i32>} : memref<100x512xf32, #tpu.memory_space<vmem>>, vector<16xf32>,
      %scan3A_131 = arith.constant 0 : i32
      scf.yield %scan3A_131 : i32
    }
    %scan3A_50 = arith.constant 3200 : i32
    %scan3A_51 = arith.constant 0 : i32
    %scan3A_52 = arith.constant 0 : i32
    %scan3A_53 = arith.constant 32 : i32
    %scan3A_54 = arith.addi %scan3A_52, %scan3A_53 : i32
    %scan3A_55 = arith.constant 1 : i32
    %scan3A_56 = scf.for %scan3A_95 = %scan3A_52 to %scan3A_54 step %scan3A_55 iter_args(%scan3A_96 = %scan3A_51) -> (i32)  : i32 {
      %mul3A_97 = arith.constant 16 : i32
      %mul3A_98 = arith.muli %scan3A_95, %mul3A_97 : i32
      %add3A_99 = vector.broadcast %mul3A_98 : i32 to vector<16xi32>
      %add3A_100 = arith.addi %iota3A, %add3A_99 : vector<16xi32>
      %mul3A_101 = arith.constant 16 : i32
      %mul3A_102 = arith.muli %scan3A_95, %mul3A_101 : i32
      %get3A = arith.constant 1 : i32
      %get3A_103 = arith.index_cast %get3A : i32 to index
      %get3A_104 = arith.index_cast %mul3A_102 : i32 to index
      %get3A_105 = tpu.vector_load %arg7[%get3A_103, %get3A_104] {strides = array<i32>} : memref<2x512xi32, #tpu.memory_space<vmem>>, vector<16xi32>,
      tpu.vector_store_idx %arg6[%get3A_105, %add3A_100], %broadcast_in_dim3A_6 : memref<100x512xf32, #tpu.memory_space<vmem>>[vector<16xi32>, vector<16xi32>], vector<16xf32>,
      %mul3A_106 = arith.constant 16 : i32
      %mul3A_107 = arith.muli %scan3A_95, %mul3A_106 : i32
      %get3A_108 = arith.constant 1 : i32
      %get3A_109 = arith.index_cast %get3A_108 : i32 to index
      %get3A_110 = arith.index_cast %mul3A_107 : i32 to index
      %get3A_111 = tpu.vector_load %arg4[%get3A_109, %get3A_110] {strides = array<i32>} : memref<32x512xf32, #tpu.memory_space<vmem>>, vector<16xf32>,
      %neg3A = arith.constant 0.000000e+00 : f32
      %neg3A_112 = vector.broadcast %neg3A : f32 to vector<16xf32>
      %neg3A_113 = arith.subf %neg3A_112, %get3A_111 : vector<16xf32>
      %exp3A = math.exp %neg3A_113 : vector<16xf32>
      %add3A_114 = arith.constant 1.000000e+00 : f32
      %add3A_115 = vector.broadcast %add3A_114 : f32 to vector<16xf32>
      %add3A_116 = arith.addf %add3A_115, %exp3A : vector<16xf32>
      %div3A = arith.constant 1.000000e+00 : f32
      %div3A_117 = vector.broadcast %div3A : f32 to vector<16xf32>
      %div3A_118 = arith.divf %div3A_117, %add3A_116 : vector<16xf32>
      %mul3A_119 = arith.constant 9.900000e+01 : f32
      %mul3A_120 = vector.broadcast %mul3A_119 : f32 to vector<16xf32>
      %mul3A_121 = arith.mulf %div3A_118, %mul3A_120 : vector<16xf32>
      %convert_element_type3A = arith.fptosi %mul3A_121 : vector<16xf32> to vector<16xi32>
      tpu.vector_store_idx %arg6[%convert_element_type3A, %add3A_100], %broadcast_in_dim3A_8 : memref<100x512xf32, #tpu.memory_space<vmem>>[vector<16xi32>, vector<16xi32>], vector<16xf32>,
      %mul3A_122 = arith.constant 16 : i32
      %mul3A_123 = arith.muli %scan3A_95, %mul3A_122 : i32
      %swap3A = arith.constant 1 : i32
      %swap3A_124 = arith.index_cast %swap3A : i32 to index
      %swap3A_125 = arith.index_cast %mul3A_123 : i32 to index
      %swap3A_126 = tpu.vector_load %arg7[%swap3A_124, %swap3A_125] {strides = array<i32>} : memref<2x512xi32, #tpu.memory_space<vmem>>, vector<16xi32>,
      tpu.vector_store %arg7[%swap3A_124, %swap3A_125], %convert_element_type3A {strides = array<i32>} : memref<2x512xi32, #tpu.memory_space<vmem>>, vector<16xi32>,
      %scan3A_127 = arith.constant 0 : i32
      scf.yield %scan3A_127 : i32
    }
    %scan3A_57 = arith.constant 32 : i32
    %add3A_58 = arith.constant 1 : i32
    %add3A_59 = arith.addi %mul3A_2, %add3A_58 : i32
    %dma_start3A_60 = arith.constant 0 : i32
    %dma_start3A_61 = arith.constant 0 : i32
    %dma_start3A_62 = tpu.memref_slice %arg3[%dma_start3A_60, %add3A_59, %dma_start3A_61] : memref<100x1024x512xf32, #tpu.memory_space<hbm>> -> memref<100x1x512xf32, #tpu.memory_space<hbm>>
    %dma_start3A_63 = tpu.memref_squeeze %dma_start3A_62 : memref<100x1x512xf32, #tpu.memory_space<hbm>> -> memref<100x512xf32, #tpu.memory_space<hbm>>
    %dma_start3A_64 = arith.constant 0 : i32
    %dma_start3A_65 = arith.constant 0 : i32
    %dma_start3A_66 = tpu.memref_slice %arg3[%dma_start3A_64, %add3A_59, %dma_start3A_65] : memref<100x1024x512xf32, #tpu.memory_space<hbm>> -> memref<100x1x512xf32, #tpu.memory_space<hbm>>
    %dma_start3A_67 = tpu.memref_squeeze %dma_start3A_66 : memref<100x1x512xf32, #tpu.memory_space<hbm>> -> memref<100x512xf32, #tpu.memory_space<hbm>>
    tpu.enqueue_dma source(%arg6 : memref<100x512xf32, #tpu.memory_space<vmem>>) target(%dma_start3A_67 : memref<100x512xf32, #tpu.memory_space<hbm>>) target_semaphore(%arg9 : memref<!tpu.dma_semaphore, #tpu.memory_space<semaphore_mem>>)
    %scan3A_68 = arith.constant 0 : i32
    %scan3A_69 = arith.constant 1 : i32
    %scan3A_70 = arith.constant 15 : i32
    %scan3A_71 = arith.addi %scan3A_69, %scan3A_70 : i32
    %scan3A_72 = arith.constant 1 : i32
    %scan3A_73 = scf.for %scan3A_95 = %scan3A_69 to %scan3A_71 step %scan3A_72 iter_args(%scan3A_96 = %scan3A_68) -> (i32)  : i32 {
      %mul3A_97 = arith.constant 2 : i32
      %mul3A_98 = arith.muli %mul3A_97, %scan3A_95 : i32
      %sub3A = arith.constant 2 : i32
      %sub3A_99 = arith.subi %mul3A_98, %sub3A : i32
      %add3A_100 = arith.addi %mul3A_2, %sub3A_99 : i32
      %dma_wait3A_101 = arith.constant 0 : i32
      %dma_wait3A_102 = arith.constant 0 : i32
      %dma_wait3A_103 = tpu.memref_slice %arg3[%dma_wait3A_101, %add3A_100, %dma_wait3A_102] : memref<100x1024x512xf32, #tpu.memory_space<hbm>> -> memref<100x1x512xf32, #tpu.memory_space<hbm>>
      %dma_wait3A_104 = tpu.memref_squeeze %dma_wait3A_103 : memref<100x1x512xf32, #tpu.memory_space<hbm>> -> memref<100x512xf32, #tpu.memory_space<hbm>>
      %dma_wait3A_105 = arith.constant 0 : i32
      %dma_wait3A_106 = arith.constant 0 : i32
      %dma_wait3A_107 = tpu.memref_slice %arg3[%dma_wait3A_105, %add3A_100, %dma_wait3A_106] : memref<100x1024x512xf32, #tpu.memory_space<hbm>> -> memref<100x1x512xf32, #tpu.memory_space<hbm>>
      %dma_wait3A_108 = tpu.memref_squeeze %dma_wait3A_107 : memref<100x1x512xf32, #tpu.memory_space<hbm>> -> memref<100x512xf32, #tpu.memory_space<hbm>>
      tpu.wait_dma2 semaphore(%arg8 : memref<!tpu.dma_semaphore, #tpu.memory_space<semaphore_mem>>) src(%arg5 : memref<100x512xf32, #tpu.memory_space<vmem>>) dst(%dma_wait3A_108 : memref<100x512xf32, #tpu.memory_space<hbm>>)
      %scan3A_109 = arith.constant 0 : i32
      %scan3A_110 = arith.constant 0 : i32
      %scan3A_111 = arith.constant 32 : i32
      %scan3A_112 = arith.addi %scan3A_110, %scan3A_111 : i32
      %scan3A_113 = arith.constant 1 : i32
      %scan3A_114 = scf.for %scan3A_157 = %scan3A_110 to %scan3A_112 step %scan3A_113 iter_args(%scan3A_158 = %scan3A_109) -> (i32)  : i32 {
        %mul3A_159 = arith.constant 16 : i32
        %mul3A_160 = arith.muli %scan3A_157, %mul3A_159 : i32
        %add3A_161 = vector.broadcast %mul3A_160 : i32 to vector<16xi32>
        %add3A_162 = arith.addi %iota3A, %add3A_161 : vector<16xi32>
        %mul3A_163 = arith.constant 16 : i32
        %mul3A_164 = arith.muli %scan3A_157, %mul3A_163 : i32
        %get3A = arith.constant 0 : i32
        %get3A_165 = arith.index_cast %get3A : i32 to index
        %get3A_166 = arith.index_cast %mul3A_164 : i32 to index
        %get3A_167 = tpu.vector_load %arg7[%get3A_165, %get3A_166] {strides = array<i32>} : memref<2x512xi32, #tpu.memory_space<vmem>>, vector<16xi32>,
        tpu.vector_store_idx %arg5[%get3A_167, %add3A_162], %broadcast_in_dim3A_6 : memref<100x512xf32, #tpu.memory_space<vmem>>[vector<16xi32>, vector<16xi32>], vector<16xf32>,
        %mul3A_168 = arith.constant 16 : i32
        %mul3A_169 = arith.muli %scan3A_157, %mul3A_168 : i32
        %get3A_170 = arith.index_cast %mul3A_98 : i32 to index
        %get3A_171 = arith.index_cast %mul3A_169 : i32 to index
        %get3A_172 = tpu.vector_load %arg4[%get3A_170, %get3A_171] {strides = array<i32>} : memref<32x512xf32, #tpu.memory_space<vmem>>, vector<16xf32>,
        %neg3A = arith.constant 0.000000e+00 : f32
        %neg3A_173 = vector.broadcast %neg3A : f32 to vector<16xf32>
        %neg3A_174 = arith.subf %neg3A_173, %get3A_172 : vector<16xf32>
        %exp3A = math.exp %neg3A_174 : vector<16xf32>
        %add3A_175 = arith.constant 1.000000e+00 : f32
        %add3A_176 = vector.broadcast %add3A_175 : f32 to vector<16xf32>
        %add3A_177 = arith.addf %add3A_176, %exp3A : vector<16xf32>
        %div3A = arith.constant 1.000000e+00 : f32
        %div3A_178 = vector.broadcast %div3A : f32 to vector<16xf32>
        %div3A_179 = arith.divf %div3A_178, %add3A_177 : vector<16xf32>
        %mul3A_180 = arith.constant 9.900000e+01 : f32
        %mul3A_181 = vector.broadcast %mul3A_180 : f32 to vector<16xf32>
        %mul3A_182 = arith.mulf %div3A_179, %mul3A_181 : vector<16xf32>
        %convert_element_type3A = arith.fptosi %mul3A_182 : vector<16xf32> to vector<16xi32>
        tpu.vector_store_idx %arg5[%convert_element_type3A, %add3A_162], %broadcast_in_dim3A_8 : memref<100x512xf32, #tpu.memory_space<vmem>>[vector<16xi32>, vector<16xi32>], vector<16xf32>,
        %mul3A_183 = arith.constant 16 : i32
        %mul3A_184 = arith.muli %scan3A_157, %mul3A_183 : i32
        %swap3A = arith.constant 0 : i32
        %swap3A_185 = arith.index_cast %swap3A : i32 to index
        %swap3A_186 = arith.index_cast %mul3A_184 : i32 to index
        %swap3A_187 = tpu.vector_load %arg7[%swap3A_185, %swap3A_186] {strides = array<i32>} : memref<2x512xi32, #tpu.memory_space<vmem>>, vector<16xi32>,
        tpu.vector_store %arg7[%swap3A_185, %swap3A_186], %convert_element_type3A {strides = array<i32>} : memref<2x512xi32, #tpu.memory_space<vmem>>, vector<16xi32>,
        %scan3A_188 = arith.constant 0 : i32
        scf.yield %scan3A_188 : i32
      }
      %scan3A_115 = arith.constant 32 : i32
      %add3A_116 = arith.addi %mul3A_2, %mul3A_98 : i32
      %dma_start3A_117 = arith.constant 0 : i32
      %dma_start3A_118 = arith.constant 0 : i32
      %dma_start3A_119 = tpu.memref_slice %arg3[%dma_start3A_117, %add3A_116, %dma_start3A_118] : memref<100x1024x512xf32, #tpu.memory_space<hbm>> -> memref<100x1x512xf32, #tpu.memory_space<hbm>>
      %dma_start3A_120 = tpu.memref_squeeze %dma_start3A_119 : memref<100x1x512xf32, #tpu.memory_space<hbm>> -> memref<100x512xf32, #tpu.memory_space<hbm>>
      %dma_start3A_121 = arith.constant 0 : i32
      %dma_start3A_122 = arith.constant 0 : i32
      %dma_start3A_123 = tpu.memref_slice %arg3[%dma_start3A_121, %add3A_116, %dma_start3A_122] : memref<100x1024x512xf32, #tpu.memory_space<hbm>> -> memref<100x1x512xf32, #tpu.memory_space<hbm>>
      %dma_start3A_124 = tpu.memref_squeeze %dma_start3A_123 : memref<100x1x512xf32, #tpu.memory_space<hbm>> -> memref<100x512xf32, #tpu.memory_space<hbm>>
      tpu.enqueue_dma source(%arg5 : memref<100x512xf32, #tpu.memory_space<vmem>>) target(%dma_start3A_124 : memref<100x512xf32, #tpu.memory_space<hbm>>) target_semaphore(%arg8 : memref<!tpu.dma_semaphore, #tpu.memory_space<semaphore_mem>>)
      %sub3A_125 = arith.constant 1 : i32
      %sub3A_126 = arith.subi %mul3A_98, %sub3A_125 : i32
      %add3A_127 = arith.addi %mul3A_2, %sub3A_126 : i32
      %dma_wait3A_128 = arith.constant 0 : i32
      %dma_wait3A_129 = arith.constant 0 : i32
      %dma_wait3A_130 = tpu.memref_slice %arg3[%dma_wait3A_128, %add3A_127, %dma_wait3A_129] : memref<100x1024x512xf32, #tpu.memory_space<hbm>> -> memref<100x1x512xf32, #tpu.memory_space<hbm>>
      %dma_wait3A_131 = tpu.memref_squeeze %dma_wait3A_130 : memref<100x1x512xf32, #tpu.memory_space<hbm>> -> memref<100x512xf32, #tpu.memory_space<hbm>>
      %dma_wait3A_132 = arith.constant 0 : i32
      %dma_wait3A_133 = arith.constant 0 : i32
      %dma_wait3A_134 = tpu.memref_slice %arg3[%dma_wait3A_132, %add3A_127, %dma_wait3A_133] : memref<100x1024x512xf32, #tpu.memory_space<hbm>> -> memref<100x1x512xf32, #tpu.memory_space<hbm>>
      %dma_wait3A_135 = tpu.memref_squeeze %dma_wait3A_134 : memref<100x1x512xf32, #tpu.memory_space<hbm>> -> memref<100x512xf32, #tpu.memory_space<hbm>>
      tpu.wait_dma2 semaphore(%arg9 : memref<!tpu.dma_semaphore, #tpu.memory_space<semaphore_mem>>) src(%arg6 : memref<100x512xf32, #tpu.memory_space<vmem>>) dst(%dma_wait3A_135 : memref<100x512xf32, #tpu.memory_space<hbm>>)
      %add3A_136 = arith.constant 1 : i32
      %add3A_137 = arith.addi %mul3A_98, %add3A_136 : i32
      %scan3A_138 = arith.constant 0 : i32
      %scan3A_139 = arith.constant 0 : i32
      %scan3A_140 = arith.constant 32 : i32
      %scan3A_141 = arith.addi %scan3A_139, %scan3A_140 : i32
      %scan3A_142 = arith.constant 1 : i32
      %scan3A_143 = scf.for %scan3A_157 = %scan3A_139 to %scan3A_141 step %scan3A_142 iter_args(%scan3A_158 = %scan3A_138) -> (i32)  : i32 {
        %mul3A_159 = arith.constant 16 : i32
        %mul3A_160 = arith.muli %scan3A_157, %mul3A_159 : i32
        %add3A_161 = vector.broadcast %mul3A_160 : i32 to vector<16xi32>
        %add3A_162 = arith.addi %iota3A, %add3A_161 : vector<16xi32>
        %mul3A_163 = arith.constant 16 : i32
        %mul3A_164 = arith.muli %scan3A_157, %mul3A_163 : i32
        %get3A = arith.constant 1 : i32
        %get3A_165 = arith.index_cast %get3A : i32 to index
        %get3A_166 = arith.index_cast %mul3A_164 : i32 to index
        %get3A_167 = tpu.vector_load %arg7[%get3A_165, %get3A_166] {strides = array<i32>} : memref<2x512xi32, #tpu.memory_space<vmem>>, vector<16xi32>,
        tpu.vector_store_idx %arg6[%get3A_167, %add3A_162], %broadcast_in_dim3A_6 : memref<100x512xf32, #tpu.memory_space<vmem>>[vector<16xi32>, vector<16xi32>], vector<16xf32>,
        %mul3A_168 = arith.constant 16 : i32
        %mul3A_169 = arith.muli %scan3A_157, %mul3A_168 : i32
        %get3A_170 = arith.index_cast %add3A_137 : i32 to index
        %get3A_171 = arith.index_cast %mul3A_169 : i32 to index
        %get3A_172 = tpu.vector_load %arg4[%get3A_170, %get3A_171] {strides = array<i32>} : memref<32x512xf32, #tpu.memory_space<vmem>>, vector<16xf32>,
        %neg3A = arith.constant 0.000000e+00 : f32
        %neg3A_173 = vector.broadcast %neg3A : f32 to vector<16xf32>
        %neg3A_174 = arith.subf %neg3A_173, %get3A_172 : vector<16xf32>
        %exp3A = math.exp %neg3A_174 : vector<16xf32>
        %add3A_175 = arith.constant 1.000000e+00 : f32
        %add3A_176 = vector.broadcast %add3A_175 : f32 to vector<16xf32>
        %add3A_177 = arith.addf %add3A_176, %exp3A : vector<16xf32>
        %div3A = arith.constant 1.000000e+00 : f32
        %div3A_178 = vector.broadcast %div3A : f32 to vector<16xf32>
        %div3A_179 = arith.divf %div3A_178, %add3A_177 : vector<16xf32>
        %mul3A_180 = arith.constant 9.900000e+01 : f32
        %mul3A_181 = vector.broadcast %mul3A_180 : f32 to vector<16xf32>
        %mul3A_182 = arith.mulf %div3A_179, %mul3A_181 : vector<16xf32>
        %convert_element_type3A = arith.fptosi %mul3A_182 : vector<16xf32> to vector<16xi32>
        tpu.vector_store_idx %arg6[%convert_element_type3A, %add3A_162], %broadcast_in_dim3A_8 : memref<100x512xf32, #tpu.memory_space<vmem>>[vector<16xi32>, vector<16xi32>], vector<16xf32>,
        %mul3A_183 = arith.constant 16 : i32
        %mul3A_184 = arith.muli %scan3A_157, %mul3A_183 : i32
        %swap3A = arith.constant 1 : i32
        %swap3A_185 = arith.index_cast %swap3A : i32 to index
        %swap3A_186 = arith.index_cast %mul3A_184 : i32 to index
        %swap3A_187 = tpu.vector_load %arg7[%swap3A_185, %swap3A_186] {strides = array<i32>} : memref<2x512xi32, #tpu.memory_space<vmem>>, vector<16xi32>,
        tpu.vector_store %arg7[%swap3A_185, %swap3A_186], %convert_element_type3A {strides = array<i32>} : memref<2x512xi32, #tpu.memory_space<vmem>>, vector<16xi32>,
        %scan3A_188 = arith.constant 0 : i32
        scf.yield %scan3A_188 : i32
      }
      %scan3A_144 = arith.constant 32 : i32
      %add3A_145 = arith.constant 1 : i32
      %add3A_146 = arith.addi %mul3A_98, %add3A_145 : i32
      %add3A_147 = arith.addi %mul3A_2, %add3A_146 : i32
      %dma_start3A_148 = arith.constant 0 : i32
      %dma_start3A_149 = arith.constant 0 : i32
      %dma_start3A_150 = tpu.memref_slice %arg3[%dma_start3A_148, %add3A_147, %dma_start3A_149] : memref<100x1024x512xf32, #tpu.memory_space<hbm>> -> memref<100x1x512xf32, #tpu.memory_space<hbm>>
      %dma_start3A_151 = tpu.memref_squeeze %dma_start3A_150 : memref<100x1x512xf32, #tpu.memory_space<hbm>> -> memref<100x512xf32, #tpu.memory_space<hbm>>
      %dma_start3A_152 = arith.constant 0 : i32
      %dma_start3A_153 = arith.constant 0 : i32
      %dma_start3A_154 = tpu.memref_slice %arg3[%dma_start3A_152, %add3A_147, %dma_start3A_153] : memref<100x1024x512xf32, #tpu.memory_space<hbm>> -> memref<100x1x512xf32, #tpu.memory_space<hbm>>
      %dma_start3A_155 = tpu.memref_squeeze %dma_start3A_154 : memref<100x1x512xf32, #tpu.memory_space<hbm>> -> memref<100x512xf32, #tpu.memory_space<hbm>>
      tpu.enqueue_dma source(%arg6 : memref<100x512xf32, #tpu.memory_space<vmem>>) target(%dma_start3A_155 : memref<100x512xf32, #tpu.memory_space<hbm>>) target_semaphore(%arg9 : memref<!tpu.dma_semaphore, #tpu.memory_space<semaphore_mem>>)
      %scan3A_156 = arith.constant 0 : i32
      scf.yield %scan3A_156 : i32
    }
    %scan3A_74 = arith.constant 15 : i32
    %add3A_75 = arith.constant 30 : i32
    %add3A_76 = arith.addi %mul3A_2, %add3A_75 : i32
    %dma_wait3A_77 = arith.constant 0 : i32
    %dma_wait3A_78 = arith.constant 0 : i32
    %dma_wait3A_79 = tpu.memref_slice %arg3[%dma_wait3A_77, %add3A_76, %dma_wait3A_78] : memref<100x1024x512xf32, #tpu.memory_space<hbm>> -> memref<100x1x512xf32, #tpu.memory_space<hbm>>
    %dma_wait3A_80 = tpu.memref_squeeze %dma_wait3A_79 : memref<100x1x512xf32, #tpu.memory_space<hbm>> -> memref<100x512xf32, #tpu.memory_space<hbm>>
    %dma_wait3A_81 = arith.constant 0 : i32
    %dma_wait3A_82 = arith.constant 0 : i32
    %dma_wait3A_83 = tpu.memref_slice %arg3[%dma_wait3A_81, %add3A_76, %dma_wait3A_82] : memref<100x1024x512xf32, #tpu.memory_space<hbm>> -> memref<100x1x512xf32, #tpu.memory_space<hbm>>
    %dma_wait3A_84 = tpu.memref_squeeze %dma_wait3A_83 : memref<100x1x512xf32, #tpu.memory_space<hbm>> -> memref<100x512xf32, #tpu.memory_space<hbm>>
    tpu.wait_dma2 semaphore(%arg8 : memref<!tpu.dma_semaphore, #tpu.memory_space<semaphore_mem>>) src(%arg5 : memref<100x512xf32, #tpu.memory_space<vmem>>) dst(%dma_wait3A_84 : memref<100x512xf32, #tpu.memory_space<hbm>>)
    %add3A_85 = arith.constant 31 : i32
    %add3A_86 = arith.addi %mul3A_2, %add3A_85 : i32
    %dma_wait3A_87 = arith.constant 0 : i32
    %dma_wait3A_88 = arith.constant 0 : i32
    %dma_wait3A_89 = tpu.memref_slice %arg3[%dma_wait3A_87, %add3A_86, %dma_wait3A_88] : memref<100x1024x512xf32, #tpu.memory_space<hbm>> -> memref<100x1x512xf32, #tpu.memory_space<hbm>>
    %dma_wait3A_90 = tpu.memref_squeeze %dma_wait3A_89 : memref<100x1x512xf32, #tpu.memory_space<hbm>> -> memref<100x512xf32, #tpu.memory_space<hbm>>
    %dma_wait3A_91 = arith.constant 0 : i32
    %dma_wait3A_92 = arith.constant 0 : i32
    %dma_wait3A_93 = tpu.memref_slice %arg3[%dma_wait3A_91, %add3A_86, %dma_wait3A_92] : memref<100x1024x512xf32, #tpu.memory_space<hbm>> -> memref<100x1x512xf32, #tpu.memory_space<hbm>>
    %dma_wait3A_94 = tpu.memref_squeeze %dma_wait3A_93 : memref<100x1x512xf32, #tpu.memory_space<hbm>> -> memref<100x512xf32, #tpu.memory_space<hbm>>
    tpu.wait_dma2 semaphore(%arg9 : memref<!tpu.dma_semaphore, #tpu.memory_space<semaphore_mem>>) src(%arg6 : memref<100x512xf32, #tpu.memory_space<vmem>>) dst(%dma_wait3A_94 : memref<100x512xf32, #tpu.memory_space<hbm>>)
    return
  }
}

</mosaic_0001>

<sc_bundles>
// kernel: kernel.3.cloned.1.call-start
scs
__scs_entry_jumppad:
0x0: {  	(pc) =	sbr.rel $0x88, $3  }
0x1: {  	(tag) =	ssettag $0x0;
	lr =	simm.s32 $0x1  }
0x2: {  	[smem:$0x3FA0] =	sst lr;
	_ =	strace $0xD0000000  }
0x3: {  	_ = 	snop  }
0x4: {  	_ = 	snop  }
0x5: {  	_ = 	snop  }
0x6: {  	_ = 	snop  }
0x7: {  	_ = 	snop  }
__scs_overlays_trampoline_lowered:
0x8: {  	[smem:$0x3FAF] =	sst s0  }
0x9: {  	[smem:$0x3FB0] =	sst s1  }
0xa: {  	[smem:$0x3FB1] =	sst s2  }
0xb: {  	[smem:$0x3FB2] =	sst s3  }
0xc: {  	[smem:$0x3FB3] =	sst s4  }
0xd: {  	[smem:$0x3FB4] =	sst s5  }
0xe: {  	[smem:$0x3FB5] =	sst s6  }
0xf: {  	[smem:$0x3FB6] =	sst s7  }
0x10: {  	[smem:$0x3FB7] =	sst s8  }
0x11: {  	[smem:$0x3FB8] =	sst s9;
	s0 =	simm.s32 @!p0 $0x0  }
0x12: {  	s1 =	sld [smem:$0x3F9E];
	s0 =	simm.s32 @p0 $0x1  }
0x13: {  	[smem:$0x3FB9] =	sst s0;
	s0 =	simm.s32 @!p1 $0x0  }
0x14: {  	s2 =	sld [smem:$0x3F9D];
	s0 =	simm.s32 @p1 $0x1  }
0x15: {  	[smem:$0x3FBA] =	sst s0;
	s0 =	simm.s32 @!p2 $0x0  }
0x16: {  	s3 =	sld [smem:$0x3FDB];
	s0 =	simm.s32 @p2 $0x1  }
0x17: {  	s4 =	simm.s32 $0x1BF5;
	[smem:$0x3FBC] =	sst s0  }
0x18: {  	s0 =	sld [smem:$0x3F9F];
	_ =	swait.ge [sflag:s4], $0x0  }
0x19: {  	s7 =	sld [smem:$0x3FA0]  }
0x1a: {  	s8 =	sadd.s32 $0xFFFFE003, lr  }
0x1b: {  	s9 =	sadd.s32 $0xFFFFFEF7, lr;
	s5 =	simm.s32 $0xFFFFFFFF;
	p2 =	slt.u32 s8, $0xFFFFF086  }
0x1c: {  	p1 =	slt.u32 s9, $0xF7A;
	s5 =	simm.s32 @!p2 $0x0  }
0x1d: {  	s5 =	simm.s32 @p1 $0x1;
	p0 =	seq.s32 s7, s2  }
0x1e: {  	s7 =	smul.u32 @!p0 $0xF7A, s2;
	p2 =	seq.s32 @!p0 s5, $0x0  }
0x1f: {  	s9 =	smul.u32 $0xF7A, s1;
	s8 =	simm.s32 @!p0 $0x1BF5;
	p2 =	por !p2, p0  }
0x20: {  	[sflag:s8] =	ssyncset.s32 @!p0 $0xFFFFF086;
	s6 =	sadd.s32 @!p0 s3, s7;
	s7 =	simm.s32 @!p0 $0x108  }
0x21: {  	s3 =	sadd.s32 s3, s9;
	s6 =	sadd.s32 @!p0 $0x88, s6;
	s7 =	simm.s32 @p2 $0x1082  }
0x22: {  	[simem:s7], [sflag:s8] =	dma.local @!p0 [hbm:s6], $0xF7A  }
0x23: {  	s9 =	sor.u32 $0xD0000000, s2;
	s6 =	simm.s32 $0x108;
	_ =	swait.ge @!p0 [sflag:s8], $0x0  }
0x24: {  	s3 =	sadd.s32 $0x88, s3;
	s6 =	simm.s32 @!p1 $0x1082;
	[sflag:s4] =	ssyncset.s32 $0xFFFFF086  }
0x25: {  	[simem:s6], [sflag:s4] =	dma.local [hbm:s3], $0xF7A  }
0x26: {  	[smem:$0x3FA0] =	sst s1;
	(tag) =	ssettag s2;
	_ =	strace s9  }
0x27: {  	s1 =	sld [smem:$0x3FB0]  }
0x28: {  	s2 =	sld [smem:$0x3FB1]  }
0x29: {  	s4 =	sld [smem:$0x3FB3]  }
0x2a: {  	p0 =	seq.s32 s5, $0x0;
	s5 =	sld [smem:$0x3FB4]  }
0x2b: {  	s6 =	sld [smem:$0x3FB5]  }
0x2c: {  	s7 =	sld [smem:$0x3FB6]  }
0x2d: {  	s3 =	simm.s32 $0x108;
	s8 =	sld [smem:$0x3FB7]  }
0x2e: {  	s3 =	simm.s32 @!p0 $0x1082;
	s9 =	sld [smem:$0x3FB8]  }
0x2f: {  	lr =	sadd.s32 s0, s3;
	s0 =	sld [smem:$0x3FAF]  }
0x30: {  	s3 =	sld [smem:$0x3FB2]  }
0x31: {  	[smem:$0x3FBB] =	sst s10  }
0x32: {  	s10 =	sld [smem:$0x3FB9];
	_ =	sdelay $0x3  }
0x33: {  	p0 =	seq.s32 s10, $0x1;
	s10 =	sld [smem:$0x3FBB];
	_ =	sdelay $0x3  }
0x34: {  	[smem:$0x3FBB] =	sst s10  }
0x35: {  	s10 =	sld [smem:$0x3FBA];
	_ =	sdelay $0x3  }
0x36: {  	p1 =	seq.s32 s10, $0x1;
	s10 =	sld [smem:$0x3FBB];
	_ =	sdelay $0x3  }
0x37: {  	[smem:$0x3FBB] =	sst s10  }
0x38: {  	s10 =	sld [smem:$0x3FBC]  }
0x39: {  	_ = 	snop;
	(pc) =	sbr.ind lr, $3  }
0x3a: {  	_ = 	snop  }
0x3b: {  	_ = 	snop  }
0x3c: {  	p2 =	seq.s32 s10, $0x1;
	s10 =	sld [smem:$0x3FBB]  }
0x3d: {  	_ =	shalt  }
0x3e: {  	_ =	shalt  }
0x3f: {  	_ =	shalt  }
0x40: {  	_ =	shalt  }
0x41: {  	_ =	shalt  }
0x42: {  	_ =	shalt  }
0x43: {  	_ =	shalt  }
0x44: {  	_ =	shalt  }
0x45: {  	_ =	shalt  }
0x46: {  	_ =	shalt  }
0x47: {  	_ =	shalt  }
0x48: {  	_ =	shalt  }
0x49: {  	_ =	shalt  }
0x4a: {  	_ =	shalt  }
0x4b: {  	_ =	shalt  }
0x4c: {  	_ =	shalt  }
0x4d: {  	_ =	shalt  }
0x4e: {  	_ =	shalt  }
0x4f: {  	_ =	shalt  }
0x50: {  	_ =	shalt  }
0x51: {  	_ =	shalt  }
0x52: {  	_ =	shalt  }
0x53: {  	_ =	shalt  }
0x54: {  	_ =	shalt  }
0x55: {  	_ =	shalt  }
0x56: {  	_ =	shalt  }
0x57: {  	_ =	shalt  }
0x58: {  	_ =	shalt  }
0x59: {  	_ =	shalt  }
0x5a: {  	_ =	shalt  }
0x5b: {  	_ =	shalt  }
0x5c: {  	_ =	shalt  }
0x5d: {  	_ =	shalt  }
0x5e: {  	_ =	shalt  }
0x5f: {  	_ =	shalt  }
0x60: {  	_ =	shalt  }
0x61: {  	_ =	shalt  }
0x62: {  	_ =	shalt  }
0x63: {  	_ =	shalt  }
0x64: {  	_ =	shalt  }
0x65: {  	_ =	shalt  }
0x66: {  	_ =	shalt  }
0x67: {  	_ =	shalt  }
0x68: {  	_ =	shalt  }
0x69: {  	_ =	shalt  }
0x6a: {  	_ =	shalt  }
0x6b: {  	_ =	shalt  }
0x6c: {  	_ =	shalt  }
0x6d: {  	_ =	shalt  }
0x6e: {  	_ =	shalt  }
0x6f: {  	_ =	shalt  }
0x70: {  	_ =	shalt  }
0x71: {  	_ =	shalt  }
0x72: {  	_ =	shalt  }
0x73: {  	_ =	shalt  }
0x74: {  	_ =	shalt  }
0x75: {  	_ =	shalt  }
0x76: {  	_ =	shalt  }
0x77: {  	_ =	shalt  }
0x78: {  	_ =	shalt  }
0x79: {  	_ =	shalt  }
0x7a: {  	_ =	shalt  }
0x7b: {  	_ =	shalt  }
0x7c: {  	_ =	shalt  }
0x7d: {  	_ =	shalt  }
0x7e: {  	_ =	shalt  }
0x7f: {  	_ =	shalt  }
0x80: {  	_ =	shalt  }
0x81: {  	_ =	shalt  }
0x82: {  	_ =	shalt  }
0x83: {  	_ =	shalt  }
0x84: {  	_ =	shalt  }
0x85: {  	_ =	shalt  }
0x86: {  	_ =	shalt  }
0x87: {  	_ =	shalt  }
.Lfunc_end0:
.L_simem_size_0:
called_computation_lowered:
.L_overlay_start_0:
0x88: {  	s2 =	sld [smem:$0x3FD9]  }
0x89: {  	s3 =	sld [smem:$0x3FFE];
	_ =	sdelay $0x1  }
0x8a: {  	s1 =	srdreg.scid  }
0x8b: {  	s0 =	sand.u32 $0x1, s1  }
0x8c: {  	s17 =	sshll.u32 s0, $0xA;
	s2 =	sadd.s32 s3, s2  }
0x8d: {  	s2 =	sadd.s32 s2, s17  }
0x8e: {  	[smem:$0x3FC7] =	sst s2  }
0x8f: {  	_ = 	snop  }
0x90: {  	s2 =	sld [smem:$0x3FD0];
	(tm) =	ssettm $0x1  }
0x91: {  	s18 =	sld [smem:$0x3FFB];
	_ =	sdelay $0x3  }
0x92: {  	_ =	strace s18  }
0x93: {  	s3 =	sld [smem:$0x3FFC];
	_ =	sdelay $0x3  }
0x94: {  	_ =	strace s3  }
0x95: {  	s3 =	sld [smem:$0x3FFD];
	_ =	sdelay $0x3  }
0x96: {  	_ =	strace s3  }
0x97: {  	_ =	strace $0x8FFFFFFF  }
0x98: {  	s19 =	sld [smem:$0x3FDB];
	_ =	sdelay $0x1  }
0x99: {  	s4 =	simm.s32 $_scs_section_size  }
0x9a: {  	s5 =	simm.s32 $_size__tile_overlayer_lowered;
	s6 =	simm.s32 $_tile_overlayer_lowered  }
0x9b: {  	s22 =	simm.s32 $0x1BFF;
	s21 =	sshll.u32 s6, $0x1;
	s3 =	sadd.s32 s4, s19  }
0x9c: {  	s7 =	simm.s32 $0x0;
	s20 =	sshll.u32 s5, $0x1;
	s5 =	sadd.s32 s21, s3  }
0x9d: {  	[timem:s7], [sflag:s22] =	dma.local [hbm:s5], s20  }
0x9e: {  	_ =	swait.ge [sflag:s22], s20  }
0x9f: {  	s4 =	ssub.s32 $0x0, s20;
	[sflag:s22] =	ssyncset.done $0x0  }
0xa0: {  	[sflag:s22] =	ssyncadd.s32 s4;
	_ =	sdelay $0x1  }
0xa1: {  	s23 =	simm.s32 $0x1B8B  }
0xa2: {  	_ =	swait.ge [sflag:s23], $0x1  }
0xa3: {  	[sflag:s23] =	ssyncset.done $0x0  }
0xa4: {  	s25 =	simm.s32 $0x1B8E;
	s24 =	sld [smem:$0x3FFE];
	[sflag:s23] =	ssyncadd.s32 $0xFFFFFFFF  }
0xa5: {  	s26 =	simm.s32 $execute0_lowered;
	[smem:$0x3FD2] =	sst s25  }
0xa6: {  	s5 =	sshll.u32 s26, $0x1;
	_ =	strace $0x80000046;
	[dreg:$0x1] =	wrdreg $0xFFFFFFFF  }
0xa7: {  	s28 =	simm.s32 $_size_execute0_lowered;
	s3 =	sadd.s32 s3, s5;
	[dreg:$0x0] =	wrdreg $0x0  }
0xa8: {  	s5 =	sshll.u32 s28, $0x1;
	[dreg:$0x2] =	wrdreg s3  }
0xa9: {  	[dreg:$0x3] =	wrdreg s5  }
0xaa: {  	[dreg:$0x4] =	wrdreg $0xC0  }
0xab: {  	_ =	task [dreg:s7], $0x5FFFF  }
0xac: {  	[dreg:$0x1] =	wrdreg $0xFFFFFFFF  }
0xad: {  	[dreg:$0x0] =	wrdreg $0x60  }
0xae: {  	[dreg:$0x2] =	wrdreg s2  }
0xaf: {  	[dreg:$0x3] =	wrdreg s24  }
0xb0: {  	[dreg:$0x4] =	wrdreg $0x9  }
0xb1: {  	_ =	task.clear_ibuf [dreg:s7], $0x5FFFF;
	_ =	strace $0x90000046  }
0xb2: {  	s29 =	simm.s32 $0x9;
	_ =	strace $0x80000048  }
0xb3: {  	_ =	swait.ge [sflag:s29], $0x1  }
0xb4: {  	[sflag:s29] =	ssyncadd.s32 $0xFFFFFFFF  }
0xb5: {  	_ =	strace $0x90000048  }
0xb6: {  	_ =	sfence  }
0xb7: {  	s30 =	sld [smem:$0x0];
	_ =	sdelay $0x2  }
0xb8: {  	s31 =	sshll.u32 s1, $0xD;
	s1 =	sshrl.u32 s1, $0x2  }
0xb9: {  	s3 =	sand.u32 $0x4000, s31;
	s1 =	sadd.s32 s1, s30  }
0xba: {  	s0 =	sor.u32 s3, s0;
	s1 =	sshll.u32 s1, $0x11  }
0xbb: {  	s0 =	sor.u32 s1, s0  }
0xbc: {  	s0 =	sadd.s32 $0x8F2B, s0  }
0xbd: {  	[sflag:s0] =	ssyncadd.remote.s32 $0x1  }
0xbe: {  	_ =	sfence.sel $0xFFFF  }
0xbf: {  	[dreg:$0x0] =	wrdreg $0xFFFFFFFF;
	(pc) =	sbr.abs _section_cstart, $3  }
0xc0: {  	[dreg:$0x1] =	wrdreg $0xFFFFFFFF  }
0xc1: {  	_ =	task.clear_ibuf [dreg:s7], $0x2FFFF;
	_ =	strace $0x9FFFFFFF  }
0xc2: {  	(tm) =	ssettm $0x7FFFFFFF  }
0xc3: {  	_ =	shalt  }
tec
execute0_lowered:
.L_overlay_start_1:
0x0: {  	(tag) =	ssettag $0x1  }
0x1: {  	s5 =	rddreg [dreg:$0x0]  }
0x2: {  	s4 =	rddreg [dreg:$0x1]  }
0x3: {  	s0 =	rddreg [dreg:$0x2];
	s3 =	srdreg.scid  }
0x4: {  	s2 =	simm.s32 $0x0;
	s1 =	stileid.u32;
	s9 =	simm.s32 $0x1  }
0x5: {  	s10 =	simm.s32 $0x4000;
	s11 =	simm.s32 $0x200;
	s12 =	simm.s32 $0x80000  }
0x6: {  	s13 =	simm.s32 $0x10800;
	s14 =	simm.s32 $0x2;
	s3 =	sand.u32 $0x1, s3  }
0x7: {  	s15 =	simm.s32 $0x0;
	s6 =	sshll.u32 s1, $0x6;
	s7 =	sshll.u32 s3, $0x5  }
0x8: {  	[smem:$0x7FF] =	sst s2;
	s8 =	ssub.s32 $0x2, s3;
	s3 =	sor.u32 s7, s6  }
0x9: {  	v3 =	vlaneseq.u32;
	s4 =	sadd.s32 $0x400, s4;
	s31 =	sshrl.u32 s8, $0x1;
	s7 =	sshll.u32 s3, $0x6  }
0xa: {  	v0 =	vimm.s32 $0x0;
	v1 =	vimm.f32 $0.0e+00;
	v2 =	vshrl.u32 v3, $0x3;
	_ =	strace $0x80000047;
	s8 =	ssub.s32 s8, s31;
	s6 =	sadd.s32 s4, s7  }
0xb: {  	v4 =	vimm.f32 $1.000000000e+00;
	v3 =	vand.u32 $0x7, v3;
	v2 =	vmul.u32 $0x8, v2;
	s5 =	sadd.s32 s5, s7;
	s8 =	smax.u32 s8, $0x1;
	s7 =	sadd.s32 $0x40, s6  }
.LBB2_1:
0xc: {  	[tilespmem:s2], [sflag:$0x1] =	stream.linear.gather [hbm4b:s5+s2], $0x4000, $0x38;
	[tilespmem:$0x1D400] =	vst v63  }
0xd: {  	[tilespmem:$0x1D000] =	vst v0  }
0xe: {  	[tilespmem:$0x1D200] =	vst v0  }
0xf: {  	[tilespmem:$0x1D010] =	vst v0  }
0x10: {  	[tilespmem:$0x1D210] =	vst v0  }
0x11: {  	[tilespmem:$0x1D020] =	vst v0  }
0x12: {  	[tilespmem:$0x1D220] =	vst v0  }
0x13: {  	[tilespmem:$0x1D030] =	vst v0  }
0x14: {  	[tilespmem:$0x1D230] =	vst v0  }
0x15: {  	[tilespmem:$0x1D040] =	vst v0  }
0x16: {  	[tilespmem:$0x1D240] =	vst v0  }
0x17: {  	[tilespmem:$0x1D050] =	vst v0  }
0x18: {  	[tilespmem:$0x1D250] =	vst v0  }
0x19: {  	[tilespmem:$0x1D060] =	vst v0  }
0x1a: {  	[tilespmem:$0x1D260] =	vst v0  }
0x1b: {  	[tilespmem:$0x1D070] =	vst v0  }
0x1c: {  	[tilespmem:$0x1D270] =	vst v0  }
0x1d: {  	[tilespmem:$0x1D080] =	vst v0  }
0x1e: {  	[tilespmem:$0x1D280] =	vst v0  }
0x1f: {  	[tilespmem:$0x1D090] =	vst v0  }
0x20: {  	[tilespmem:$0x1D290] =	vst v0  }
0x21: {  	[tilespmem:$0x1D0A0] =	vst v0  }
0x22: {  	[tilespmem:$0x1D2A0] =	vst v0  }
0x23: {  	[tilespmem:$0x1D0B0] =	vst v0  }
0x24: {  	[tilespmem:$0x1D2B0] =	vst v0  }
0x25: {  	[tilespmem:$0x1D0C0] =	vst v0  }
0x26: {  	[tilespmem:$0x1D2C0] =	vst v0  }
0x27: {  	[tilespmem:$0x1D0D0] =	vst v0  }
0x28: {  	[tilespmem:$0x1D2D0] =	vst v0  }
0x29: {  	[tilespmem:$0x1D0E0] =	vst v0  }
0x2a: {  	[tilespmem:$0x1D2E0] =	vst v0  }
0x2b: {  	[tilespmem:$0x1D0F0] =	vst v0  }
0x2c: {  	[tilespmem:$0x1D2F0] =	vst v0  }
0x2d: {  	[tilespmem:$0x1D100] =	vst v0  }
0x2e: {  	[tilespmem:$0x1D300] =	vst v0  }
0x2f: {  	[tilespmem:$0x1D110] =	vst v0  }
0x30: {  	[tilespmem:$0x1D310] =	vst v0  }
0x31: {  	[tilespmem:$0x1D120] =	vst v0  }
0x32: {  	[tilespmem:$0x1D320] =	vst v0  }
0x33: {  	[tilespmem:$0x1D130] =	vst v0  }
0x34: {  	[tilespmem:$0x1D330] =	vst v0  }
0x35: {  	[tilespmem:$0x1D140] =	vst v0  }
0x36: {  	[tilespmem:$0x1D340] =	vst v0  }
0x37: {  	[tilespmem:$0x1D150] =	vst v0  }
0x38: {  	[tilespmem:$0x1D350] =	vst v0  }
0x39: {  	[tilespmem:$0x1D160] =	vst v0  }
0x3a: {  	[tilespmem:$0x1D360] =	vst v0  }
0x3b: {  	[tilespmem:$0x1D170] =	vst v0  }
0x3c: {  	[tilespmem:$0x1D370] =	vst v0  }
0x3d: {  	[tilespmem:$0x1D180] =	vst v0  }
0x3e: {  	[tilespmem:$0x1D380] =	vst v0  }
0x3f: {  	[tilespmem:$0x1D190] =	vst v0  }
0x40: {  	[tilespmem:$0x1D390] =	vst v0  }
0x41: {  	[tilespmem:$0x1D1A0] =	vst v0  }
0x42: {  	[tilespmem:$0x1D3A0] =	vst v0  }
0x43: {  	[tilespmem:$0x1D1B0] =	vst v0  }
0x44: {  	[tilespmem:$0x1D3B0] =	vst v0  }
0x45: {  	[tilespmem:$0x1D1C0] =	vst v0  }
0x46: {  	[tilespmem:$0x1D3C0] =	vst v0  }
0x47: {  	[tilespmem:$0x1D1D0] =	vst v0  }
0x48: {  	[tilespmem:$0x1D3D0] =	vst v0  }
0x49: {  	[tilespmem:$0x1D1E0] =	vst v0  }
0x4a: {  	s16 =	sand.u32 $0x3F800, s2;
	[tilespmem:$0x1D3E0] =	vst v0  }
0x4b: {  	s17 =	sand.u32 $0x1F0, s2;
	[tilespmem:$0x1D1F0] =	vst v0;
	s18 =	sshrl.u32 s16, $0x2  }
0x4c: {  	[tilespmem:$0x1D3F0] =	vst v0;
	s16 =	simm.s32 $0x40;
	s18 =	sor.u32 s17, s18;
	s17 =	simm.s32 $0x0  }
.LBB2_2:
0x4d: {  	p0 =	sne.s32 s16, $0x31FC0  }
0x4e: {  	[tilespmem:s18+$0x4000] =	vst v1;
	s17 =	sadd.s32 $0x10, s17;
	s18 =	smov.u32 s16;
	s16 =	sadd.s32 $0x40, s16  }
.Ltmp0:
0x4f: {  	(pc) =	sbr.rel @p0 .LBB2_2-.Ltmp0, $4  }
0x50: {  	_ = 	snop  }
0x51: {  	s18 =	sand.u32 $0x3F800, s18  }
0x52: {  	s19 =	sand.u32 $0x1F0, s17;
	s18 =	sshrl.u32 s18, $0x2  }
0x53: {  	s18 =	sor.u32 s19, s18  }
0x54: {  	[tilespmem:s18+$0x4000] =	vst v1  }
0x55: {  	_ =	swait.ge [sflag:s9], $0x4000  }
0x56: {  	s16 =	simm.s32 $0x0;
	[sflag:s9] =	ssyncset.done $0x0  }
0x57: {  	s17 =	simm.s32 $0x1D000;
	s18 =	simm.s32 $0x0;
	[sflag:s9] =	ssyncadd.s32 $0xFFFFC000  }
.LBB2_4:
0x58: {  	v5 =	vld [tilespmem:s17+$0x0];
	_ =	sdelay $0x4  }
0x59: {  	v6 =	vor.u32 s18, v2;
	v5 =	vshll.u32 v5, $0x9  }
0x5a: {  	v5 =	vadd.s32 v6, v5  }
0x5b: {  	v5 =	vor.u32 v3, v5;
	_ =	sdelay $0x4  }
0x5c: {  	[tilespmem:v5+s10+$0x0] =	vst.idx.msk $0xffff, v1  }
0x5d: {  	v5 =	vld [tilespmem:s16+$0x0];
	_ =	sdelay $0x4  }
0x5e: {  	v5 =	vsub.f32 $0.0e+00, v5;
	_ =	sdelay $0x1  }
0x5f: {  	v5 =	vmul.f32 $1.442695020e+00, v5;
	_ =	sdelay $0x1  }
0x60: {  	(erf) = vpow2.f32 v5;
	_ =	sdelay $0x8  }
0x61: {  	v5 =	vpop (erf)  }
0x62: {  	v5 =	vadd.f32 $1.000000000e+00, v5;
	_ =	sdelay $0x1  }
0x63: {  	(erf) = vrcp.f32 v5;
	_ =	sdelay $0x8  }
0x64: {  	v5 =	vpop (erf)  }
0x65: {  	v5 =	vmul.f32 $9.900000000e+01, v5;
	_ =	sdelay $0x1  }
0x66: {  	v5 =	vtrunc.f32 v5  }
0x67: {  	v5 =	vcvt.f32.s32 v5;
	_ =	sdelay $0x1  }
0x68: {  	v7 =	vshll.u32 v5, $0x9  }
0x69: {  	v6 =	vadd.s32 v6, v7  }
0x6a: {  	v6 =	vor.u32 v3, v6  }
0x6b: {  	p0 =	sne.s32 s18, $0x1F0  }
.Ltmp1:
0x6c: {  	_ = 	snop;
	(pc) =	sbr.rel @p0 .LBB2_4-.Ltmp1, $3  }
0x6d: {  	_ =	sdelay $0x1  }
0x6e: {  	[tilespmem:v6+s10+$0x0] =	vst.idx.msk $0xffff, v4  }
0x6f: {  	s18 =	sadd.s32 $0x10, s18;
	s16 =	sadd.s32 $0x10, s16;
	[tilespmem:s17+$0x0] =	vst v5;
	s17 =	sadd.s32 $0x10, s17  }
0x70: {  	[hbm4b:s6+s11] =	stream.strided.scatter [tilespmem:s10], [sflag:$0x1], $0xC800, s12, s11, $0x38;
	[tilespmem:$0x1D400] =	vst v63  }
0x71: {  	s16 =	simm.s32 $0x0;
	s17 =	simm.s32 $0x0;
	s18 =	simm.s32 $0x0  }
.LBB2_6:
0x72: {  	p0 =	sne.s32 s18, $0x31FC0  }
.Ltmp2:
0x73: {  	_ = 	snop;
	(pc) =	sbr.rel @p0 .LBB2_6-.Ltmp2, $4  }
0x74: {  	s19 =	sand.u32 $0x3F800, s18  }
0x75: {  	s20 =	sand.u32 $0x1F0, s17;
	s19 =	sshrl.u32 s19, $0x2  }
0x76: {  	s19 =	sor.u32 s20, s19  }
0x77: {  	s17 =	sadd.s32 $0x10, s17;
	s18 =	sadd.s32 $0x40, s18;
	[tilespmem:s19+$0x10800] =	vst v1  }
0x78: {  	s17 =	simm.s32 $0x200;
	s18 =	simm.s32 $0x1D200  }
.LBB2_8:
0x79: {  	v5 =	vld [tilespmem:s18+$0x0];
	_ =	sdelay $0x4  }
0x7a: {  	v6 =	vor.u32 s16, v2;
	v5 =	vshll.u32 v5, $0x9  }
0x7b: {  	v5 =	vadd.s32 v6, v5  }
0x7c: {  	v5 =	vor.u32 v3, v5;
	_ =	sdelay $0x4  }
0x7d: {  	[tilespmem:v5+s13+$0x0] =	vst.idx.msk $0xffff, v1  }
0x7e: {  	v5 =	vld [tilespmem:s17+$0x0];
	_ =	sdelay $0x4  }
0x7f: {  	v5 =	vsub.f32 $0.0e+00, v5;
	_ =	sdelay $0x1  }
0x80: {  	v5 =	vmul.f32 $1.442695020e+00, v5;
	_ =	sdelay $0x1  }
0x81: {  	(erf) = vpow2.f32 v5;
	_ =	sdelay $0x8  }
0x82: {  	v5 =	vpop (erf)  }
0x83: {  	v5 =	vadd.f32 $1.000000000e+00, v5;
	_ =	sdelay $0x1  }
0x84: {  	(erf) = vrcp.f32 v5;
	_ =	sdelay $0x8  }
0x85: {  	v5 =	vpop (erf)  }
0x86: {  	v5 =	vmul.f32 $9.900000000e+01, v5;
	_ =	sdelay $0x1  }
0x87: {  	v5 =	vtrunc.f32 v5  }
0x88: {  	v5 =	vcvt.f32.s32 v5;
	_ =	sdelay $0x1  }
0x89: {  	v7 =	vshll.u32 v5, $0x9  }
0x8a: {  	v6 =	vadd.s32 v6, v7  }
0x8b: {  	v6 =	vor.u32 v3, v6  }
0x8c: {  	p0 =	sne.s32 s16, $0x1F0  }
.Ltmp3:
0x8d: {  	_ = 	snop;
	(pc) =	sbr.rel @p0 .LBB2_8-.Ltmp3, $3  }
0x8e: {  	_ =	sdelay $0x1  }
0x8f: {  	[tilespmem:v6+s13+$0x0] =	vst.idx.msk $0xffff, v4  }
0x90: {  	s16 =	sadd.s32 $0x10, s16;
	s17 =	sadd.s32 $0x10, s17;
	[tilespmem:s18+$0x0] =	vst v5;
	s18 =	sadd.s32 $0x10, s18  }
0x91: {  	[hbm4b:s7+s11] =	stream.strided.scatter [tilespmem:s13], [sflag:$0x2], $0xC800, s12, s11, $0x38;
	[tilespmem:$0x1D400] =	vst v63  }
0x92: {  	s16 =	simm.s32 $0x1;
	s17 =	simm.s32 $0x400;
	s18 =	simm.s32 $0x600  }
.LBB2_10:
0x93: {  	_ =	swait.ge [sflag:s9], $0xC800  }
0x94: {  	s19 =	simm.s32 $0x0;
	[sflag:s9] =	ssyncset.done $0x0  }
0x95: {  	s20 =	simm.s32 $0x1D000;
	s21 =	smov.u32 s17;
	[sflag:s9] =	ssyncadd.s32 $0xFFFF3800  }
.LBB2_11:
0x96: {  	v5 =	vld [tilespmem:s20+$0x0];
	_ =	sdelay $0x4  }
0x97: {  	v6 =	vor.u32 s19, v2;
	v5 =	vshll.u32 v5, $0x9  }
0x98: {  	v5 =	vadd.s32 v6, v5  }
0x99: {  	v5 =	vor.u32 v3, v5;
	_ =	sdelay $0x4  }
0x9a: {  	[tilespmem:v5+s10+$0x0] =	vst.idx.msk $0xffff, v1  }
0x9b: {  	v5 =	vld [tilespmem:s21+$0x0];
	_ =	sdelay $0x4  }
0x9c: {  	v5 =	vsub.f32 $0.0e+00, v5;
	_ =	sdelay $0x1  }
0x9d: {  	v5 =	vmul.f32 $1.442695020e+00, v5;
	_ =	sdelay $0x1  }
0x9e: {  	(erf) = vpow2.f32 v5;
	_ =	sdelay $0x8  }
0x9f: {  	v5 =	vpop (erf)  }
0xa0: {  	v5 =	vadd.f32 $1.000000000e+00, v5;
	_ =	sdelay $0x1  }
0xa1: {  	(erf) = vrcp.f32 v5;
	_ =	sdelay $0x8  }
0xa2: {  	v5 =	vpop (erf)  }
0xa3: {  	v5 =	vmul.f32 $9.900000000e+01, v5;
	_ =	sdelay $0x1  }
0xa4: {  	v5 =	vtrunc.f32 v5  }
0xa5: {  	v5 =	vcvt.f32.s32 v5;
	_ =	sdelay $0x1  }
0xa6: {  	v7 =	vshll.u32 v5, $0x9  }
0xa7: {  	v6 =	vadd.s32 v6, v7  }
0xa8: {  	v6 =	vor.u32 v3, v6  }
0xa9: {  	p0 =	sne.s32 s19, $0x1F0  }
.Ltmp4:
0xaa: {  	_ = 	snop;
	(pc) =	sbr.rel @p0 .LBB2_11-.Ltmp4, $3  }
0xab: {  	_ =	sdelay $0x1  }
0xac: {  	[tilespmem:v6+s10+$0x0] =	vst.idx.msk $0xffff, v4  }
0xad: {  	s19 =	sadd.s32 $0x10, s19;
	s21 =	sadd.s32 $0x10, s21;
	[tilespmem:s20+$0x0] =	vst v5;
	s20 =	sadd.s32 $0x10, s20  }
0xae: {  	s19 =	sshll.u32 s16, $0x1  }
0xaf: {  	s19 =	sadd.s32 s3, s19  }
0xb0: {  	s19 =	sshll.u32 s19, $0x6  }
0xb1: {  	s19 =	sadd.s32 s4, s19  }
0xb2: {  	[hbm4b:s19+s11] =	stream.strided.scatter [tilespmem:s10], [sflag:$0x1], $0xC800, s12, s11, $0x38;
	[tilespmem:$0x1D400] =	vst v63  }
0xb3: {  	_ =	swait.ge [sflag:s14], $0xC800  }
0xb4: {  	s20 =	simm.s32 $0x0;
	s21 =	simm.s32 $0x1D200;
	[sflag:s14] =	ssyncset.done $0x0  }
0xb5: {  	s22 =	smov.u32 s18;
	s19 =	sshllo.u32 s16, $0x1;
	[sflag:s14] =	ssyncadd.s32 $0xFFFF3800  }
.LBB2_13:
0xb6: {  	v5 =	vld [tilespmem:s21+$0x0];
	_ =	sdelay $0x4  }
0xb7: {  	v6 =	vor.u32 s20, v2;
	v5 =	vshll.u32 v5, $0x9  }
0xb8: {  	v5 =	vadd.s32 v6, v5  }
0xb9: {  	v5 =	vor.u32 v3, v5;
	_ =	sdelay $0x4  }
0xba: {  	[tilespmem:v5+s13+$0x0] =	vst.idx.msk $0xffff, v1  }
0xbb: {  	v5 =	vld [tilespmem:s22+$0x0];
	_ =	sdelay $0x4  }
0xbc: {  	v5 =	vsub.f32 $0.0e+00, v5;
	_ =	sdelay $0x1  }
0xbd: {  	v5 =	vmul.f32 $1.442695020e+00, v5;
	_ =	sdelay $0x1  }
0xbe: {  	(erf) = vpow2.f32 v5;
	_ =	sdelay $0x8  }
0xbf: {  	v5 =	vpop (erf)  }
0xc0: {  	v5 =	vadd.f32 $1.000000000e+00, v5;
	_ =	sdelay $0x1  }
0xc1: {  	(erf) = vrcp.f32 v5;
	_ =	sdelay $0x8  }
0xc2: {  	v5 =	vpop (erf)  }
0xc3: {  	v5 =	vmul.f32 $9.900000000e+01, v5;
	_ =	sdelay $0x1  }
0xc4: {  	v5 =	vtrunc.f32 v5  }
0xc5: {  	v5 =	vcvt.f32.s32 v5;
	_ =	sdelay $0x1  }
0xc6: {  	v7 =	vshll.u32 v5, $0x9  }
0xc7: {  	v6 =	vadd.s32 v6, v7  }
0xc8: {  	v6 =	vor.u32 v3, v6  }
0xc9: {  	p0 =	sne.s32 s20, $0x1F0  }
.Ltmp5:
0xca: {  	_ = 	snop;
	(pc) =	sbr.rel @p0 .LBB2_13-.Ltmp5, $3  }
0xcb: {  	_ =	sdelay $0x1  }
0xcc: {  	[tilespmem:v6+s13+$0x0] =	vst.idx.msk $0xffff, v4  }
0xcd: {  	s20 =	sadd.s32 $0x10, s20;
	s22 =	sadd.s32 $0x10, s22;
	[tilespmem:s21+$0x0] =	vst v5;
	s21 =	sadd.s32 $0x10, s21  }
0xce: {  	s16 =	sadd.s32 $0x1, s16  }
0xcf: {  	p0 =	sne.s32 s16, $0x10  }
.Ltmp6:
0xd0: {  	_ = 	snop;
	(pc) =	sbr.rel @p0 .LBB2_10-.Ltmp6, $4  }
0xd1: {  	s19 =	sadd.s32 s3, s19  }
0xd2: {  	s19 =	sshll.u32 s19, $0x6  }
0xd3: {  	s17 =	sadd.s32 $0x400, s17;
	s18 =	sadd.s32 $0x400, s18;
	s19 =	sadd.s32 s4, s19  }
0xd4: {  	[hbm4b:s19+s11] =	stream.strided.scatter [tilespmem:s13], [sflag:$0x2], $0xC800, s12, s11, $0x38;
	[tilespmem:$0x1D400] =	vst v63  }
0xd5: {  	s15 =	sadd.s32 $0x1, s15  }
0xd6: {  	_ =	swait.ge [sflag:s9], $0xC800;
	p0 =	sne.s32 s15, s8  }
.Ltmp7:
0xd7: {  	[sflag:s9] =	ssyncset.done $0x0;
	(pc) =	sbr.rel @p0 .LBB2_1-.Ltmp7, $4  }
0xd8: {  	[sflag:s9] =	ssyncadd.s32 $0xFFFF3800  }
0xd9: {  	_ =	swait.ge [sflag:s14], $0xC800  }
0xda: {  	[sflag:s14] =	ssyncset.done $0x0  }
0xdb: {  	[sflag:s14] =	ssyncadd.s32 $0xFFFF3800  }
0xdc: {  	_ =	sfence.sel $0x180000  }
0xdd: {  	[bflag:$0x0] =	sbarrier.arrive $0xFFFF  }
0xde: {  	p0 =	sne.s32 s1, $0x0;
	_ =	strace $0x90000047  }
0xdf: {  	s0 =	sadd.s32 @!p0 $0x100000, s0;
	[bflag:$0x2] =	sbarrier.arrive $0xFFFF  }
0xe0: {  	[sflag:s0] =	ssyncadd.tile.s32 @!p0 $0x1;
	_ =	shalt  }
.Lfunc_end2:
_tile_overlayer_lowered:
.L_overlay_start_2:
0xe1: {  	(tag) =	ssettag $0x2  }
0xe2: {  	s0 =	rddreg [dreg:$0x0];
	s2 =	stileid.u32  }
0xe3: {  	s1 =	rddreg [dreg:$0x1];
	p0 =	sne.s32 s2, $0x0  }
0xe4: {  	s3 =	rddreg [dreg:$0x2];
	[bflag:$0x3] =	sbarrier.arrive $0xFFFF;
	s2 =	simm.s32 @!p0 $0x1C03  }
0xe5: {  	[timem:s3], [sflag:s2] =	dma.local @!p0 [hbm:s0], s1  }
0xe6: {  	s0 =	simm.s32 @!p0 $0x3  }
0xe7: {  	_ =	swait.ge @!p0 [sflag:s0], s1  }
0xe8: {  	s1 =	ssub.s32 @!p0 $0x0, s1;
	[sflag:s0] =	ssyncset.done @!p0 $0x0  }
0xe9: {  	[sflag:s0] =	ssyncadd.s32 @!p0 s1  }
0xea: {  	[bflag:$0x3] =	sbarrier.arrive $0xFFFF  }
0xeb: {  	_ =	shalt  }

</sc_bundles>
